<compile_context>
chip_gen: v7x
topology: tpu7x:2x2x1
jax: 0.10.2.dev20260603
libtpu: 0.0.44.dev20260713+nightly
codegen_flags: <defaults>
</compile_context>

<pallas_src>
import functools

import jax
import jax.numpy as jnp
from jax import lax
from jax.experimental import pallas as pl
from jax.experimental.pallas import tpu as pltpu
from jax.experimental.pallas import tpu_sc as plsc

N_NODES = 10000
N_EDGES = 320000
D = 128

NUM_SC = 2
NUM_TILES = 16
NUM_W = NUM_SC * NUM_TILES
EDGES_PER_W = N_EDGES // NUM_W
CHUNK = 80
NCHUNK = EDGES_PER_W // CHUNK
N_PAD = 10240
ROWS_PER_TILE = N_PAD // NUM_TILES


def _sc_aggregate(h, src, dst, zeros_tile):
    mesh = plsc.VectorSubcoreMesh(core_axis_name="c", subcore_axis_name="s")

    @functools.partial(
        pl.kernel,
        out_type=jax.ShapeDtypeStruct((NUM_SC, N_PAD, D), jnp.float32),
        mesh=mesh,
        scratch_types=[
            pltpu.VMEM((CHUNK,), jnp.int32),
            pltpu.VMEM((CHUNK,), jnp.int32),
            pltpu.VMEM((CHUNK, D), jnp.float32),
            pltpu.VMEM_SHARED((N_PAD, D), jnp.float32),
            pltpu.SemaphoreType.DMA,
        ],
    )
    def agg_kernel(h_hbm, src_hbm, dst_hbm, z_hbm, part_hbm,
                   src_v, dst_v, rows_v, acc_sh, sem):
        cid = lax.axis_index("c")
        sid = lax.axis_index("s")
        gwid = cid * NUM_TILES + sid

        pltpu.sync_copy(z_hbm, acc_sh.at[pl.ds(sid * ROWS_PER_TILE, ROWS_PER_TILE)])
        plsc.subcore_barrier()

        base = gwid * EDGES_PER_W

        def body(i, _):
            off = base + i * CHUNK
            pltpu.sync_copy(src_hbm.at[pl.ds(off, CHUNK)], src_v)
            pltpu.async_copy(h_hbm.at[src_v], rows_v, sem).wait()
            pltpu.sync_copy(dst_hbm.at[pl.ds(off, CHUNK)], dst_v)
            pltpu.sync_copy(rows_v, acc_sh.at[dst_v], add=True)
            return ()

        lax.fori_loop(0, NCHUNK, body, (), unroll=False)
        plsc.subcore_barrier()

        sl = pl.ds(sid * ROWS_PER_TILE, ROWS_PER_TILE)
        pltpu.sync_copy(acc_sh.at[sl], part_hbm.at[cid].at[sl])

    return agg_kernel(h, src, dst, zeros_tile)


def _tc_finish(partials, weights, bias2d):
    rows = 1000
    grid = N_NODES // rows
    k = weights.shape[0]

    def tc_kernel(p_ref, w_ref, b_ref, o_ref):
        p = p_ref[0] + p_ref[1]
        w = jnp.mean(w_ref[...], axis=0)
        acc = jnp.dot(p, w, preferred_element_type=jnp.float32)
        o_ref[...] = jnp.maximum(acc + b_ref[...], 0.0)

    return pl.pallas_call(
        tc_kernel,
        grid=(grid,),
        in_specs=[
            pl.BlockSpec((NUM_SC, rows, D), lambda i: (0, i, 0)),
            pl.BlockSpec((k, D, D), lambda i: (0, 0, 0)),
            pl.BlockSpec((1, D), lambda i: (0, 0)),
        ],
        out_specs=pl.BlockSpec((rows, D), lambda i: (i, 0)),
        out_shape=jax.ShapeDtypeStruct((N_NODES, D), jnp.float32),
    )(partials, weights, bias2d)


def kernel(h, edge_index, weights, bias):
    src = edge_index[0].astype(jnp.int32)
    dst = edge_index[1].astype(jnp.int32)
    h = h.astype(jnp.float32)
    zeros_tile = jnp.zeros((ROWS_PER_TILE, D), jnp.float32)
    partials = _sc_aggregate(h, src, dst, zeros_tile)
    return _tc_finish(partials, weights.astype(jnp.float32),
                      bias.astype(jnp.float32).reshape(1, D))

# --- scband reference (transcript-rebuilt; emitter-appended) ---
"""Pipeline reference for scband-gcnlayer-77661598646422 (READ-ONLY COPY).

The authoritative reference and input builder live on the scoring server;
editing this copy changes nothing except your own understanding.
"""

import jax, jax.numpy as jnp
import numpy as np

N_NODES = 10000
N_EDGES = 320000
IN_DIM = 128
OUT_DIM = 128
NUM_HEADS = 1


def setup_inputs(seed: int = 0) -> dict:
    key = jax.random.key(seed)
    k1, k2, k3 = jax.random.split(key, 3)
    h = jax.random.normal(k1, (N_NODES, IN_DIM), dtype=jnp.float32)
    edge_index = jax.random.randint(k2, (2, N_EDGES), 0, N_NODES, dtype=jnp.int64)
    # xavier_uniform-ish init for weights [num_heads, in_dim, out_dim]
    limit = float(np.sqrt(6.0 / (IN_DIM + OUT_DIM)))
    weights = jax.random.uniform(k3, (NUM_HEADS, IN_DIM, OUT_DIM), dtype=jnp.float32, minval=-limit, maxval=limit)
    bias = jnp.zeros((OUT_DIM,), dtype=jnp.float32)
    return {"h": h, "edge_index": edge_index, "weights": weights, "bias": bias}


def reference(h, edge_index, weights, bias):
    # Multi-head linear transform: bmm(h.expand(K, N, in), weights[K, in, out]).mean(0)
    hK = jnp.einsum('nd,kde->kne', h, weights)  # [K, N, out]
    h2 = jnp.mean(hK, axis=0)  # [N, out]
    # dgl update_all(copy_src, sum): aggregate messages from src nodes into dst nodes
    src = edge_index[0]
    dst = edge_index[1]
    agg = jnp.zeros((h2.shape[0], h2.shape[1]), dtype=h2.dtype).at[dst].add(h2[src])
    out = agg + bias
    out = jax.nn.relu(out)
    return out

if __name__ == "__main__":
    import jax
    _d = setup_inputs()
    print(jax.jit(kernel)(*tuple(_d.values())))

</pallas_src>

<mosaic_0001>
#map = affine_map<(d0, d1) -> (0, 0)>
#map1 = affine_map<(d0, d1) -> (0)>
#map2 = affine_map<(d0, d1) -> (0, 0, 0)>
module attributes {stable_mosaic.version = 14 : i64} {
  func.func @agg_kernel(%arg0: i32, %arg1: i32, %arg2: memref<10000x128xf32, #tpu.memory_space<hbm>>, %arg3: memref<320000xi32, #tpu.memory_space<hbm>>, %arg4: memref<320000xi32, #tpu.memory_space<hbm>>, %arg5: memref<640x128xf32, #tpu.memory_space<hbm>>, %arg6: memref<2x10240x128xf32, #tpu.memory_space<hbm>>, %arg7: memref<80xi32, #tpu.memory_space<vmem>>, %arg8: memref<80xi32, #tpu.memory_space<vmem>>, %arg9: memref<80x128xf32, #tpu.memory_space<vmem>>, %arg10: memref<10240x128xf32, #tpu.memory_space<vmem_shared>>, %arg11: memref<!tpu.dma_semaphore, #tpu.memory_space<semaphore_mem>>) attributes {dimension_semantics = [#tpu.dimension_semantics<core_parallel>, #tpu.dimension_semantics<subcore_parallel>], iteration_bounds = array<i64: 2, 16>, scalar_prefetch = 0 : i64, scratch_operands = 5 : i64, tpu.core_type = #tpu.core_type<sc_vector_subcore>, window_params = [{transform_indices = #map}, {transform_indices = #map1}, {transform_indices = #map1}, {transform_indices = #map}, {transform_indices = #map2}]} {
    %mul3A = arith.constant 16 : i32
    %mul3A_0 = arith.muli %arg0, %mul3A : i32
    %add3A = arith.addi %mul3A_0, %arg1 : i32
    %mul3A_1 = arith.constant 640 : i32
    %mul3A_2 = arith.muli %arg1, %mul3A_1 : i32
    "tpu.region"() ({
      %run_scoped3A = tpu.sem_alloc : memref<!tpu.dma_semaphore, #tpu.memory_space<semaphore_mem>>
      %dma_start3A = arith.constant 0 : i32
      %dma_start3A_12 = tpu.memref_slice %arg10[%mul3A_2, %dma_start3A] : memref<10240x128xf32, #tpu.memory_space<vmem_shared>> -> memref<640x128xf32, #tpu.memory_space<vmem_shared>>
      tpu.enqueue_dma source(%arg5 : memref<640x128xf32, #tpu.memory_space<hbm>>) target(%dma_start3A_12 : memref<640x128xf32, #tpu.memory_space<vmem_shared>>) target_semaphore(%run_scoped3A : memref<!tpu.dma_semaphore, #tpu.memory_space<semaphore_mem>>)
      %dma_wait3A = arith.constant 0 : i32
      %dma_wait3A_13 = tpu.memref_slice %arg10[%mul3A_2, %dma_wait3A] : memref<10240x128xf32, #tpu.memory_space<vmem_shared>> -> memref<640x128xf32, #tpu.memory_space<vmem_shared>>
      tpu.wait_dma2 semaphore(%run_scoped3A : memref<!tpu.dma_semaphore, #tpu.memory_space<semaphore_mem>>) src(%arg5 : memref<640x128xf32, #tpu.memory_space<hbm>>) dst(%dma_wait3A_13 : memref<640x128xf32, #tpu.memory_space<vmem_shared>>)
      tpu.yield
    }) : () -> ()
    %barrier3A = arith.constant 0 : index
    tpu.barrier barrier_id(%barrier3A)
    %mul3A_3 = arith.constant 10000 : i32
    %mul3A_4 = arith.muli %add3A, %mul3A_3 : i32
    %scan3A = arith.constant 0 : i32
    %scan3A_5 = arith.constant 125 : i32
    %scan3A_6 = arith.addi %scan3A, %scan3A_5 : i32
    %scan3A_7 = arith.constant 1 : i32
    scf.for %scan3A_12 = %scan3A to %scan3A_6 step %scan3A_7  : i32 {
      %mul3A_13 = arith.constant 80 : i32
      %mul3A_14 = arith.muli %scan3A_12, %mul3A_13 : i32
      %add3A_15 = arith.addi %mul3A_4, %mul3A_14 : i32
      "tpu.region"() ({
        %run_scoped3A = tpu.sem_alloc : memref<!tpu.dma_semaphore, #tpu.memory_space<semaphore_mem>>
        %dma_start3A_20 = tpu.memref_slice %arg3[%add3A_15] : memref<320000xi32, #tpu.memory_space<hbm>> -> memref<80xi32, #tpu.memory_space<hbm>>
        %dma_start3A_21 = tpu.memref_slice %arg3[%add3A_15] : memref<320000xi32, #tpu.memory_space<hbm>> -> memref<80xi32, #tpu.memory_space<hbm>>
        tpu.enqueue_dma source(%dma_start3A_21 : memref<80xi32, #tpu.memory_space<hbm>>) target(%arg7 : memref<80xi32, #tpu.memory_space<vmem>>) target_semaphore(%run_scoped3A : memref<!tpu.dma_semaphore, #tpu.memory_space<semaphore_mem>>)
        %dma_wait3A_22 = tpu.memref_slice %arg3[%add3A_15] : memref<320000xi32, #tpu.memory_space<hbm>> -> memref<80xi32, #tpu.memory_space<hbm>>
        %dma_wait3A_23 = tpu.memref_slice %arg3[%add3A_15] : memref<320000xi32, #tpu.memory_space<hbm>> -> memref<80xi32, #tpu.memory_space<hbm>>
        tpu.wait_dma2 semaphore(%run_scoped3A : memref<!tpu.dma_semaphore, #tpu.memory_space<semaphore_mem>>) src(%dma_wait3A_23 : memref<80xi32, #tpu.memory_space<hbm>>) dst(%arg7 : memref<80xi32, #tpu.memory_space<vmem>>)
        tpu.yield
      }) : () -> ()
      %dma_start3A = arith.constant 0 : i32
      %dma_start3A_16 = arith.constant 0 : i32
      %dma_start3A_17 = tpu.memref_slice %arg2[%dma_start3A, %dma_start3A_16] : memref<10000x128xf32, #tpu.memory_space<hbm>> -> memref<10000x128xf32, #tpu.memory_space<hbm>>
      tpu.enqueue_indirect_dma source(%dma_start3A_17 : memref<10000x128xf32, #tpu.memory_space<hbm>>) target(%arg9 : memref<80x128xf32, #tpu.memory_space<vmem>>) offsets(%arg7 : memref<80xi32, #tpu.memory_space<vmem>>) semaphore(%arg11 : memref<!tpu.dma_semaphore, #tpu.memory_space<semaphore_mem>>)
      %dma_wait3A = arith.constant 0 : i32
      %dma_wait3A_18 = arith.constant 0 : i32
      %dma_wait3A_19 = tpu.memref_slice %arg2[%dma_wait3A, %dma_wait3A_18] : memref<10000x128xf32, #tpu.memory_space<hbm>> -> memref<10000x128xf32, #tpu.memory_space<hbm>>
      tpu.wait_indirect_dma semaphore(%arg11 : memref<!tpu.dma_semaphore, #tpu.memory_space<semaphore_mem>>) src(%dma_wait3A_19 : memref<10000x128xf32, #tpu.memory_space<hbm>>) dst(%arg9 : memref<80x128xf32, #tpu.memory_space<vmem>>)
      "tpu.region"() ({
        %run_scoped3A = tpu.sem_alloc : memref<!tpu.dma_semaphore, #tpu.memory_space<semaphore_mem>>
        %dma_start3A_20 = tpu.memref_slice %arg4[%add3A_15] : memref<320000xi32, #tpu.memory_space<hbm>> -> memref<80xi32, #tpu.memory_space<hbm>>
        %dma_start3A_21 = tpu.memref_slice %arg4[%add3A_15] : memref<320000xi32, #tpu.memory_space<hbm>> -> memref<80xi32, #tpu.memory_space<hbm>>
        tpu.enqueue_dma source(%dma_start3A_21 : memref<80xi32, #tpu.memory_space<hbm>>) target(%arg8 : memref<80xi32, #tpu.memory_space<vmem>>) target_semaphore(%run_scoped3A : memref<!tpu.dma_semaphore, #tpu.memory_space<semaphore_mem>>)
        %dma_wait3A_22 = tpu.memref_slice %arg4[%add3A_15] : memref<320000xi32, #tpu.memory_space<hbm>> -> memref<80xi32, #tpu.memory_space<hbm>>
        %dma_wait3A_23 = tpu.memref_slice %arg4[%add3A_15] : memref<320000xi32, #tpu.memory_space<hbm>> -> memref<80xi32, #tpu.memory_space<hbm>>
        tpu.wait_dma2 semaphore(%run_scoped3A : memref<!tpu.dma_semaphore, #tpu.memory_space<semaphore_mem>>) src(%dma_wait3A_23 : memref<80xi32, #tpu.memory_space<hbm>>) dst(%arg8 : memref<80xi32, #tpu.memory_space<vmem>>)
        tpu.yield
      }) : () -> ()
      "tpu.region"() ({
        %run_scoped3A = tpu.sem_alloc : memref<!tpu.dma_semaphore, #tpu.memory_space<semaphore_mem>>
        %dma_start3A_20 = arith.constant 0 : i32
        %dma_start3A_21 = arith.constant 0 : i32
        %dma_start3A_22 = tpu.memref_slice %arg10[%dma_start3A_20, %dma_start3A_21] : memref<10240x128xf32, #tpu.memory_space<vmem_shared>> -> memref<10240x128xf32, #tpu.memory_space<vmem_shared>>
        tpu.enqueue_indirect_dma source(%arg9 : memref<80x128xf32, #tpu.memory_space<vmem>>) target(%dma_start3A_22 : memref<10240x128xf32, #tpu.memory_space<vmem_shared>>) offsets(%arg8 : memref<80xi32, #tpu.memory_space<vmem>>) semaphore(%run_scoped3A : memref<!tpu.dma_semaphore, #tpu.memory_space<semaphore_mem>>) {add = true}
        %dma_wait3A_23 = arith.constant 0 : i32
        %dma_wait3A_24 = arith.constant 0 : i32
        %dma_wait3A_25 = tpu.memref_slice %arg10[%dma_wait3A_23, %dma_wait3A_24] : memref<10240x128xf32, #tpu.memory_space<vmem_shared>> -> memref<10240x128xf32, #tpu.memory_space<vmem_shared>>
        tpu.wait_indirect_dma semaphore(%run_scoped3A : memref<!tpu.dma_semaphore, #tpu.memory_space<semaphore_mem>>) src(%arg9 : memref<80x128xf32, #tpu.memory_space<vmem>>) dst(%dma_wait3A_25 : memref<10240x128xf32, #tpu.memory_space<vmem_shared>>)
        tpu.yield
      }) : () -> ()
    }
    %scan3A_8 = arith.constant 125 : i32
    %barrier3A_9 = arith.constant 0 : index
    tpu.barrier barrier_id(%barrier3A_9)
    %mul3A_10 = arith.constant 640 : i32
    %mul3A_11 = arith.muli %arg1, %mul3A_10 : i32
    "tpu.region"() ({
      %run_scoped3A = tpu.sem_alloc : memref<!tpu.dma_semaphore, #tpu.memory_space<semaphore_mem>>
      %dma_start3A = arith.constant 0 : i32
      %dma_start3A_12 = arith.constant 0 : i32
      %dma_start3A_13 = tpu.memref_slice %arg6[%arg0, %dma_start3A, %dma_start3A_12] : memref<2x10240x128xf32, #tpu.memory_space<hbm>> -> memref<1x10240x128xf32, #tpu.memory_space<hbm>>
      %dma_start3A_14 = tpu.memref_squeeze %dma_start3A_13 : memref<1x10240x128xf32, #tpu.memory_space<hbm>> -> memref<10240x128xf32, #tpu.memory_space<hbm>>
      %dma_start3A_15 = arith.constant 0 : i32
      %dma_start3A_16 = tpu.memref_slice %dma_start3A_14[%mul3A_11, %dma_start3A_15] : memref<10240x128xf32, #tpu.memory_space<hbm>> -> memref<640x128xf32, #tpu.memory_space<hbm>>
      %dma_start3A_17 = arith.constant 0 : i32
      %dma_start3A_18 = tpu.memref_slice %arg10[%mul3A_11, %dma_start3A_17] : memref<10240x128xf32, #tpu.memory_space<vmem_shared>> -> memref<640x128xf32, #tpu.memory_space<vmem_shared>>
      tpu.enqueue_dma source(%dma_start3A_18 : memref<640x128xf32, #tpu.memory_space<vmem_shared>>) target(%dma_start3A_16 : memref<640x128xf32, #tpu.memory_space<hbm>>) target_semaphore(%run_scoped3A : memref<!tpu.dma_semaphore, #tpu.memory_space<semaphore_mem>>)
      %dma_wait3A = arith.constant 0 : i32
      %dma_wait3A_19 = arith.constant 0 : i32
      %dma_wait3A_20 = tpu.memref_slice %arg6[%arg0, %dma_wait3A, %dma_wait3A_19] : memref<2x10240x128xf32, #tpu.memory_space<hbm>> -> memref<1x10240x128xf32, #tpu.memory_space<hbm>>
      %dma_wait3A_21 = tpu.memref_squeeze %dma_wait3A_20 : memref<1x10240x128xf32, #tpu.memory_space<hbm>> -> memref<10240x128xf32, #tpu.memory_space<hbm>>
      %dma_wait3A_22 = arith.constant 0 : i32
      %dma_wait3A_23 = tpu.memref_slice %dma_wait3A_21[%mul3A_11, %dma_wait3A_22] : memref<10240x128xf32, #tpu.memory_space<hbm>> -> memref<640x128xf32, #tpu.memory_space<hbm>>
      %dma_wait3A_24 = arith.constant 0 : i32
      %dma_wait3A_25 = tpu.memref_slice %arg10[%mul3A_11, %dma_wait3A_24] : memref<10240x128xf32, #tpu.memory_space<vmem_shared>> -> memref<640x128xf32, #tpu.memory_space<vmem_shared>>
      tpu.wait_dma2 semaphore(%run_scoped3A : memref<!tpu.dma_semaphore, #tpu.memory_space<semaphore_mem>>) src(%dma_wait3A_25 : memref<640x128xf32, #tpu.memory_space<vmem_shared>>) dst(%dma_wait3A_23 : memref<640x128xf32, #tpu.memory_space<hbm>>)
      tpu.yield
    }) : () -> ()
    return
  }
}

module attributes {stable_mosaic.version = 14 : i64} {
  func.func @tc_kernel(%arg0: i32, %arg1: memref<2x1000x128xf32, #tpu.memory_space<vmem>>, %arg2: memref<1x128x128xf32, #tpu.memory_space<vmem>>, %arg3: memref<1x128xf32, #tpu.memory_space<vmem>>, %arg4: memref<1000x128xf32, #tpu.memory_space<vmem>>) attributes {dimension_semantics = [#tpu.dimension_semantics<arbitrary>], iteration_bounds = array<i64: 10>, scalar_prefetch = 0 : i64, scratch_operands = 0 : i64, tpu.core_type = #tpu.core_type<tc>, window_params = [{transform_indices = @transform_0, window_bounds = array<i64: 2, 1000, 128>}, {pipeline_mode = #tpu.pipeline_mode<synchronous>, transform_indices = @transform_1, window_bounds = array<i64: 1, 128, 128>}, {pipeline_mode = #tpu.pipeline_mode<synchronous>, transform_indices = @transform_2, window_bounds = array<i64: 1, 128>}, {transform_indices = @transform_3, window_bounds = array<i64: 1000, 128>}]} {
    %get3A = arith.constant 0 : index
    %get3A_0 = arith.constant 0 : index
    %get3A_1 = arith.constant 0 : index
    %get3A_2 = vector.load %arg1[%get3A, %get3A_0, %get3A_1] : memref<2x1000x128xf32, #tpu.memory_space<vmem>>, vector<1x1000x128xf32>
    %get3A_3 = vector.shape_cast %get3A_2 : vector<1x1000x128xf32> to vector<1000x128xf32>
    %get3A_4 = arith.constant 1 : index
    %get3A_5 = arith.constant 0 : index
    %get3A_6 = arith.constant 0 : index
    %get3A_7 = vector.load %arg1[%get3A_4, %get3A_5, %get3A_6] : memref<2x1000x128xf32, #tpu.memory_space<vmem>>, vector<1x1000x128xf32>
    %get3A_8 = vector.shape_cast %get3A_7 : vector<1x1000x128xf32> to vector<1000x128xf32>
    %add3A = arith.addf %get3A_3, %get3A_8 : vector<1000x128xf32>
    %get3A_9 = arith.constant 0 : index
    %get3A_10 = arith.constant 0 : index
    %get3A_11 = arith.constant 0 : index
    %get3A_12 = vector.load %arg2[%get3A_9, %get3A_10, %get3A_11] : memref<1x128x128xf32, #tpu.memory_space<vmem>>, vector<1x128x128xf32>
    %reduce_sum3A = arith.constant dense<0.000000e+00> : vector<128x128xf32>
    %reduce_sum3A_13 = vector.multi_reduction <add>, %get3A_12, %reduce_sum3A [0] : vector<1x128x128xf32> to vector<128x128xf32>
    %div3A = arith.constant 1.000000e+00 : f32
    %div3A_14 = vector.broadcast %div3A : f32 to vector<128x128xf32>
    %div3A_15 = arith.divf %reduce_sum3A_13, %div3A_14 : vector<128x128xf32>
    %dot_general3A = arith.constant dense<0.000000e+00> : vector<1000x128xf32>
    %dot_general3A_16 = tpu.matmul %add3A, %div3A_15, %dot_general3A {dimension_numbers = #tpu.dot_dimension_numbers<[1], [0], [0], [1], [0, 0, 1, 1], [], []>, transpose_lhs_hint = false} : vector<1000x128xf32>, vector<128x128xf32>, vector<1000x128xf32> -> vector<1000x128xf32>
    %get3A_17 = arith.constant 0 : index
    %get3A_18 = arith.constant 0 : index
    %get3A_19 = vector.load %arg3[%get3A_17, %get3A_18] : memref<1x128xf32, #tpu.memory_space<vmem>>, vector<1x128xf32>
    %add3A_20 = vector.broadcast %get3A_19 : vector<1x128xf32> to vector<1000x128xf32>
    %add3A_21 = arith.addf %dot_general3A_16, %add3A_20 : vector<1000x128xf32>
    %max3A = arith.constant 0.000000e+00 : f32
    %max3A_22 = vector.broadcast %max3A : f32 to vector<1000x128xf32>
    %max3A_23 = arith.maximumf %add3A_21, %max3A_22 : vector<1000x128xf32>
    %swap3A = arith.constant 0 : index
    %swap3A_24 = arith.constant 0 : index
    %swap3A_25 = vector.load %arg4[%swap3A, %swap3A_24] : memref<1000x128xf32, #tpu.memory_space<vmem>>, vector<1000x128xf32>
    tpu.vector_store %arg4[%swap3A, %swap3A_24], %max3A_23 {strides = array<i32>} : memref<1000x128xf32, #tpu.memory_space<vmem>>, vector<1000x128xf32>,
    return
  }
  func.func @transform_0(%arg0: i32) -> (i32, i32, i32) {
    %c0_i32 = arith.constant 0 : i32
    %c0_i32_0 = arith.constant 0 : i32
    %c0_i32_1 = arith.constant 0 : i32
    return %c0_i32, %arg0, %c0_i32_0 : i32, i32, i32
  }
  func.func @transform_1(%arg0: i32) -> (i32, i32, i32) {
    %c0_i32 = arith.constant 0 : i32
    %c0_i32_0 = arith.constant 0 : i32
    %c0_i32_1 = arith.constant 0 : i32
    %c0_i32_2 = arith.constant 0 : i32
    return %c0_i32, %c0_i32_0, %c0_i32_1 : i32, i32, i32
  }
  func.func @transform_2(%arg0: i32) -> (i32, i32) {
    %c0_i32 = arith.constant 0 : i32
    %c0_i32_0 = arith.constant 0 : i32
    %c0_i32_1 = arith.constant 0 : i32
    return %c0_i32, %c0_i32_0 : i32, i32
  }
  func.func @transform_3(%arg0: i32) -> (i32, i32) {
    %c0_i32 = arith.constant 0 : i32
    %c0_i32_0 = arith.constant 0 : i32
    return %arg0, %c0_i32 : i32, i32
  }
}

</mosaic_0001>

<sc_bundles>
// kernel: kernel.4.cloned.1.call-start
scs
__scs_entry_jumppad:
0x0: {  	(pc) =	sbr.rel $0x88, $3  }
0x1: {  	(tag) =	ssettag $0x0;
	lr =	simm.s32 $0x1  }
0x2: {  	[smem:$0x3F9D] =	sst lr;
	_ =	strace $0xD0000000  }
0x3: {  	_ = 	snop  }
0x4: {  	_ = 	snop  }
0x5: {  	_ = 	snop  }
0x6: {  	_ = 	snop  }
0x7: {  	_ = 	snop  }
__scs_overlays_trampoline_lowered:
0x8: {  	[smem:$0x3FAC] =	sst s0  }
0x9: {  	[smem:$0x3FAD] =	sst s1  }
0xa: {  	[smem:$0x3FAE] =	sst s2  }
0xb: {  	[smem:$0x3FAF] =	sst s3  }
0xc: {  	[smem:$0x3FB0] =	sst s4  }
0xd: {  	[smem:$0x3FB1] =	sst s5  }
0xe: {  	[smem:$0x3FB2] =	sst s6  }
0xf: {  	[smem:$0x3FB3] =	sst s7  }
0x10: {  	[smem:$0x3FB4] =	sst s8  }
0x11: {  	[smem:$0x3FB5] =	sst s9;
	s0 =	simm.s32 @!p0 $0x0  }
0x12: {  	s1 =	sld [smem:$0x3F9B];
	s0 =	simm.s32 @p0 $0x1  }
0x13: {  	[smem:$0x3FB6] =	sst s0;
	s0 =	simm.s32 @!p1 $0x0  }
0x14: {  	s2 =	sld [smem:$0x3F9A];
	s0 =	simm.s32 @p1 $0x1  }
0x15: {  	[smem:$0x3FB7] =	sst s0;
	s0 =	simm.s32 @!p2 $0x0  }
0x16: {  	s3 =	sld [smem:$0x3FDB];
	s0 =	simm.s32 @p2 $0x1  }
0x17: {  	s4 =	simm.s32 $0x1BF5;
	[smem:$0x3FB9] =	sst s0  }
0x18: {  	s0 =	sld [smem:$0x3F9C];
	_ =	swait.ge [sflag:s4], $0x0  }
0x19: {  	s7 =	sld [smem:$0x3F9D]  }
0x1a: {  	s8 =	sadd.s32 $0xFFFFE003, lr  }
0x1b: {  	s9 =	sadd.s32 $0xFFFFFEF7, lr;
	s5 =	simm.s32 $0xFFFFFFFF;
	p2 =	slt.u32 s8, $0xFFFFF086  }
0x1c: {  	p1 =	slt.u32 s9, $0xF7A;
	s5 =	simm.s32 @!p2 $0x0  }
0x1d: {  	s5 =	simm.s32 @p1 $0x1;
	p0 =	seq.s32 s7, s2  }
0x1e: {  	s7 =	smul.u32 @!p0 $0xF7A, s2;
	p2 =	seq.s32 @!p0 s5, $0x0  }
0x1f: {  	s9 =	smul.u32 $0xF7A, s1;
	s8 =	simm.s32 @!p0 $0x1BF5;
	p2 =	por !p2, p0  }
0x20: {  	[sflag:s8] =	ssyncset.s32 @!p0 $0xFFFFF086;
	s6 =	sadd.s32 @!p0 s3, s7;
	s7 =	simm.s32 @!p0 $0x108  }
0x21: {  	s3 =	sadd.s32 s3, s9;
	s6 =	sadd.s32 @!p0 $0x88, s6;
	s7 =	simm.s32 @p2 $0x1082  }
0x22: {  	[simem:s7], [sflag:s8] =	dma.local @!p0 [hbm:s6], $0xF7A  }
0x23: {  	s9 =	sor.u32 $0xD0000000, s2;
	s6 =	simm.s32 $0x108;
	_ =	swait.ge @!p0 [sflag:s8], $0x0  }
0x24: {  	s3 =	sadd.s32 $0x88, s3;
	s6 =	simm.s32 @!p1 $0x1082;
	[sflag:s4] =	ssyncset.s32 $0xFFFFF086  }
0x25: {  	[simem:s6], [sflag:s4] =	dma.local [hbm:s3], $0xF7A  }
0x26: {  	[smem:$0x3F9D] =	sst s1;
	(tag) =	ssettag s2;
	_ =	strace s9  }
0x27: {  	s1 =	sld [smem:$0x3FAD]  }
0x28: {  	s2 =	sld [smem:$0x3FAE]  }
0x29: {  	s4 =	sld [smem:$0x3FB0]  }
0x2a: {  	p0 =	seq.s32 s5, $0x0;
	s5 =	sld [smem:$0x3FB1]  }
0x2b: {  	s6 =	sld [smem:$0x3FB2]  }
0x2c: {  	s7 =	sld [smem:$0x3FB3]  }
0x2d: {  	s3 =	simm.s32 $0x108;
	s8 =	sld [smem:$0x3FB4]  }
0x2e: {  	s3 =	simm.s32 @!p0 $0x1082;
	s9 =	sld [smem:$0x3FB5]  }
0x2f: {  	lr =	sadd.s32 s0, s3;
	s0 =	sld [smem:$0x3FAC]  }
0x30: {  	s3 =	sld [smem:$0x3FAF]  }
0x31: {  	[smem:$0x3FB8] =	sst s10  }
0x32: {  	s10 =	sld [smem:$0x3FB6];
	_ =	sdelay $0x3  }
0x33: {  	p0 =	seq.s32 s10, $0x1;
	s10 =	sld [smem:$0x3FB8];
	_ =	sdelay $0x3  }
0x34: {  	[smem:$0x3FB8] =	sst s10  }
0x35: {  	s10 =	sld [smem:$0x3FB7];
	_ =	sdelay $0x3  }
0x36: {  	p1 =	seq.s32 s10, $0x1;
	s10 =	sld [smem:$0x3FB8];
	_ =	sdelay $0x3  }
0x37: {  	[smem:$0x3FB8] =	sst s10  }
0x38: {  	s10 =	sld [smem:$0x3FB9]  }
0x39: {  	_ = 	snop;
	(pc) =	sbr.ind lr, $3  }
0x3a: {  	_ = 	snop  }
0x3b: {  	_ = 	snop  }
0x3c: {  	p2 =	seq.s32 s10, $0x1;
	s10 =	sld [smem:$0x3FB8]  }
0x3d: {  	_ =	shalt  }
0x3e: {  	_ =	shalt  }
0x3f: {  	_ =	shalt  }
0x40: {  	_ =	shalt  }
0x41: {  	_ =	shalt  }
0x42: {  	_ =	shalt  }
0x43: {  	_ =	shalt  }
0x44: {  	_ =	shalt  }
0x45: {  	_ =	shalt  }
0x46: {  	_ =	shalt  }
0x47: {  	_ =	shalt  }
0x48: {  	_ =	shalt  }
0x49: {  	_ =	shalt  }
0x4a: {  	_ =	shalt  }
0x4b: {  	_ =	shalt  }
0x4c: {  	_ =	shalt  }
0x4d: {  	_ =	shalt  }
0x4e: {  	_ =	shalt  }
0x4f: {  	_ =	shalt  }
0x50: {  	_ =	shalt  }
0x51: {  	_ =	shalt  }
0x52: {  	_ =	shalt  }
0x53: {  	_ =	shalt  }
0x54: {  	_ =	shalt  }
0x55: {  	_ =	shalt  }
0x56: {  	_ =	shalt  }
0x57: {  	_ =	shalt  }
0x58: {  	_ =	shalt  }
0x59: {  	_ =	shalt  }
0x5a: {  	_ =	shalt  }
0x5b: {  	_ =	shalt  }
0x5c: {  	_ =	shalt  }
0x5d: {  	_ =	shalt  }
0x5e: {  	_ =	shalt  }
0x5f: {  	_ =	shalt  }
0x60: {  	_ =	shalt  }
0x61: {  	_ =	shalt  }
0x62: {  	_ =	shalt  }
0x63: {  	_ =	shalt  }
0x64: {  	_ =	shalt  }
0x65: {  	_ =	shalt  }
0x66: {  	_ =	shalt  }
0x67: {  	_ =	shalt  }
0x68: {  	_ =	shalt  }
0x69: {  	_ =	shalt  }
0x6a: {  	_ =	shalt  }
0x6b: {  	_ =	shalt  }
0x6c: {  	_ =	shalt  }
0x6d: {  	_ =	shalt  }
0x6e: {  	_ =	shalt  }
0x6f: {  	_ =	shalt  }
0x70: {  	_ =	shalt  }
0x71: {  	_ =	shalt  }
0x72: {  	_ =	shalt  }
0x73: {  	_ =	shalt  }
0x74: {  	_ =	shalt  }
0x75: {  	_ =	shalt  }
0x76: {  	_ =	shalt  }
0x77: {  	_ =	shalt  }
0x78: {  	_ =	shalt  }
0x79: {  	_ =	shalt  }
0x7a: {  	_ =	shalt  }
0x7b: {  	_ =	shalt  }
0x7c: {  	_ =	shalt  }
0x7d: {  	_ =	shalt  }
0x7e: {  	_ =	shalt  }
0x7f: {  	_ =	shalt  }
0x80: {  	_ =	shalt  }
0x81: {  	_ =	shalt  }
0x82: {  	_ =	shalt  }
0x83: {  	_ =	shalt  }
0x84: {  	_ =	shalt  }
0x85: {  	_ =	shalt  }
0x86: {  	_ =	shalt  }
0x87: {  	_ =	shalt  }
.Lfunc_end0:
.L_simem_size_0:
called_computation_lowered:
.L_overlay_start_0:
0x88: {  	s2 =	sld [smem:$0x3FD9]  }
0x89: {  	s3 =	sld [smem:$0x3FFE];
	_ =	sdelay $0x1  }
0x8a: {  	s1 =	srdreg.scid  }
0x8b: {  	s0 =	sand.u32 $0x1, s1  }
0x8c: {  	s17 =	sshll.u32 s0, $0xA;
	s2 =	sadd.s32 s3, s2  }
0x8d: {  	s2 =	sadd.s32 s2, s17  }
0x8e: {  	[smem:$0x3FC4] =	sst s2  }
0x8f: {  	_ = 	snop  }
0x90: {  	s2 =	sld [smem:$0x3FC9]  }
0x91: {  	s18 =	sld [smem:$0x3FD0];
	(tm) =	ssettm $0x1  }
0x92: {  	s4 =	sld [smem:$0x3FFB];
	_ =	sdelay $0x3  }
0x93: {  	_ =	strace s4  }
0x94: {  	s4 =	sld [smem:$0x3FFC];
	_ =	sdelay $0x3  }
0x95: {  	_ =	strace s4  }
0x96: {  	s4 =	sld [smem:$0x3FFD];
	_ =	sdelay $0x3  }
0x97: {  	_ =	strace s4  }
0x98: {  	_ =	strace $0x8FFFFFFF  }
0x99: {  	s19 =	sld [smem:$0x3FDB];
	_ =	sdelay $0x1  }
0x9a: {  	s5 =	simm.s32 $_scs_section_size  }
0x9b: {  	s6 =	simm.s32 $_size__tile_overlayer_lowered;
	s7 =	simm.s32 $_tile_overlayer_lowered  }
0x9c: {  	s22 =	simm.s32 $0x1BFF;
	s21 =	sshll.u32 s7, $0x1;
	s4 =	sadd.s32 s5, s19  }
0x9d: {  	s8 =	simm.s32 $0x0;
	s20 =	sshll.u32 s6, $0x1;
	s6 =	sadd.s32 s21, s4  }
0x9e: {  	[timem:s8], [sflag:s22] =	dma.local [hbm:s6], s20  }
0x9f: {  	_ =	swait.ge [sflag:s22], s20  }
0xa0: {  	s5 =	ssub.s32 $0x0, s20;
	[sflag:s22] =	ssyncset.done $0x0  }
0xa1: {  	[sflag:s22] =	ssyncadd.s32 s5;
	_ =	sdelay $0x1  }
0xa2: {  	s23 =	simm.s32 $0x1B8B  }
0xa3: {  	_ =	swait.ge [sflag:s23], $0x1  }
0xa4: {  	[sflag:s23] =	ssyncset.done $0x0  }
0xa5: {  	s25 =	simm.s32 $0x1B8E;
	s24 =	sld [smem:$0x3FFE];
	[sflag:s23] =	ssyncadd.s32 $0xFFFFFFFF  }
0xa6: {  	s26 =	simm.s32 $execute0_lowered;
	[smem:$0x3FD2] =	sst s25  }
0xa7: {  	s6 =	sshll.u32 s26, $0x1;
	_ =	strace $0x80000046;
	[dreg:$0x1] =	wrdreg $0xFFFFFFFF  }
0xa8: {  	s28 =	simm.s32 $_size_execute0_lowered;
	s4 =	sadd.s32 s4, s6;
	[dreg:$0x0] =	wrdreg $0x0  }
0xa9: {  	s6 =	sshll.u32 s28, $0x1;
	[dreg:$0x2] =	wrdreg s4  }
0xaa: {  	[dreg:$0x3] =	wrdreg s6  }
0xab: {  	[dreg:$0x4] =	wrdreg $0xC0  }
0xac: {  	_ =	task [dreg:s8], $0x5FFFF  }
0xad: {  	[dreg:$0x1] =	wrdreg $0xFFFFFFFF  }
0xae: {  	[dreg:$0x0] =	wrdreg $0x60  }
0xaf: {  	[dreg:$0x2] =	wrdreg s2  }
0xb0: {  	[dreg:$0x3] =	wrdreg s24  }
0xb1: {  	[dreg:$0x4] =	wrdreg s18  }
0xb2: {  	[dreg:$0x5] =	wrdreg $0x29000  }
0xb3: {  	[dreg:$0x6] =	wrdreg $0x9  }
0xb4: {  	_ =	task.clear_ibuf [dreg:s8], $0x7FFFF;
	_ =	strace $0x90000046  }
0xb5: {  	s29 =	simm.s32 $0x9;
	_ =	strace $0x80000048  }
0xb6: {  	_ =	swait.ge [sflag:s29], $0x1  }
0xb7: {  	[sflag:s29] =	ssyncadd.s32 $0xFFFFFFFF  }
0xb8: {  	_ =	strace $0x90000048  }
0xb9: {  	_ =	sfence  }
0xba: {  	s30 =	sld [smem:$0x0];
	_ =	sdelay $0x2  }
0xbb: {  	s31 =	sshll.u32 s1, $0xD;
	s1 =	sshrl.u32 s1, $0x2  }
0xbc: {  	s3 =	sand.u32 $0x4000, s31;
	s1 =	sadd.s32 s1, s30  }
0xbd: {  	s0 =	sor.u32 s3, s0;
	s1 =	sshll.u32 s1, $0x11  }
0xbe: {  	s0 =	sor.u32 s1, s0  }
0xbf: {  	s0 =	sadd.s32 $0x8F2B, s0  }
0xc0: {  	[sflag:s0] =	ssyncadd.remote.s32 $0x1  }
0xc1: {  	_ =	sfence.sel $0xFFFF  }
0xc2: {  	[dreg:$0x0] =	wrdreg $0xFFFFFFFF;
	(pc) =	sbr.abs _section_cstart, $3  }
0xc3: {  	[dreg:$0x1] =	wrdreg $0xFFFFFFFF  }
0xc4: {  	_ =	task.clear_ibuf [dreg:s8], $0x2FFFF;
	_ =	strace $0x9FFFFFFF  }
0xc5: {  	(tm) =	ssettm $0x7FFFFFFF  }
tec
execute0_lowered:
.L_overlay_start_1:
0x0: {  	(tag) =	ssettag $0x1  }
0x1: {  	s0 =	rddreg [dreg:$0x0]  }
0x2: {  	s6 =	rddreg [dreg:$0x1]  }
0x3: {  	s8 =	rddreg [dreg:$0x2]  }
0x4: {  	s1 =	srdreg.scid;
	s3 =	rddreg [dreg:$0x3]  }
0x5: {  	s2 =	rddreg [dreg:$0x4];
	s5 =	sand.u32 $0x1, s1  }
0x6: {  	s4 =	simm.s32 $0x0;
	s1 =	stileid.u32;
	s7 =	smul.u32 $0x27100, s5  }
0x7: {  	s14 =	simm.s32 $0x1;
	[smem:$0x7FF] =	sst s4;
	s9 =	smul.u32 $0x2710, s1  }
0x8: {  	s15 =	simm.s32 $0x80;
	_ =	strace $0x80000047;
	s28 =	smul.u32 $0x28000, s5  }
0x9: {  	s11 =	ssub.s32 $0x2, s5;
	s12 =	smul.u32 $0x50000, s1;
	s5 =	sadd.s32 $0xA000, s6  }
0xa: {  	s31 =	sshll.u32 s1, $0x6;
	s17 =	smul.u32 $0x2800, s1;
	s29 =	sshrl.u32 s11, $0x1  }
0xb: {  	s7 =	sadd.s32 s9, s7;
	s11 =	ssub.s32 s11, s29;
	s30 =	sshrl.u32 s12, $0x2  }
0xc: {  	s12 =	simm.s32 $0x50;
	s9 =	sshrl.u32 s7, $0x3;
	s7 =	sadd.s32 s28, s6  }
0xd: {  	s13 =	sadd.s32 s30, s3;
	s10 =	sadd.s32 s9, s6;
	s6 =	sor.u32 $0x1C02, s31  }
0xe: {  	s16 =	sadd.s32 $0xC800, s7;
	s7 =	smax.u32 s11, $0x1;
	s8 =	sadd.s32 s9, s8  }
0xf: {  	s11 =	simm.s32 $0x2;
	s9 =	sadd.s32 $0x200, s10;
	s10 =	sshrl.u32 s13, $0x3  }
0x10: {  	s13 =	simm.s32 $0x100;
	s16 =	sadd.s32 s17, s16;
	s17 =	simm.s32 $0x0  }
.LBB2_1:
0x11: {  	[spmem:s10], [sflag:s6] =	dma.local [hbm:s5], $0x2800  }
0x12: {  	_ =	swait.ge [sflag:s11], $0x2800  }
0x13: {  	[sflag:s11] =	ssyncset.done $0x0  }
0x14: {  	[sflag:s11] =	ssyncadd.s32 $0xFFFFD800  }
0x15: {  	s18 =	sadd.s32 $0x0, s9;
	[bflag:$0x0] =	sbarrier.arrive $0xFFFF  }
0x16: {  	[tilespmem:s4], [sflag:$0x2] =	stream.linear.gather [hbm4b:s18+s4], $0x50, $0x38;
	[tilespmem:$0x16900] =	vst v63  }
0x17: {  	_ =	swait.ge [sflag:s11], $0x50  }
0x18: {  	[sflag:s11] =	ssyncset.done $0x0  }
0x19: {  	[sflag:s11] =	ssyncadd.s32 $0xFFFFFFB0  }
0x1a: {  	[tilespmem:s13], [sflag:$0x1] =	stream.indirect.gather [hbm4b:s0+s12], $0x80, s4, s12, $0xb8;
	[tilespmem:$0x16900] =	vst v63  }
0x1b: {  	_ =	swait.ge [sflag:s14], $0x2800  }
0x1c: {  	[sflag:s14] =	ssyncset.done $0x0  }
0x1d: {  	s31 =	sadd.s32 $0x0, s8;
	[sflag:s14] =	ssyncadd.s32 $0xFFFFD800  }
0x1e: {  	[tilespmem:s15], [sflag:$0x2] =	stream.linear.gather [hbm4b:s31+s4], $0x50, $0x38;
	[tilespmem:$0x16900] =	vst v63  }
0x1f: {  	_ =	swait.ge [sflag:s11], $0x50  }
0x20: {  	[sflag:s11] =	ssyncset.done $0x0  }
0x21: {  	[sflag:s11] =	ssyncadd.s32 $0xFFFFFFB0  }
0x22: {  	[spmem:s3] =	stream.indirect.scatter.add.f32 [tilespmem:s13], [sflag:$0x2], $0x80, s15, s12, $0xb8;
	[tilespmem:$0x16900] =	vst v63  }
0x23: {  	_ =	swait.ge [sflag:s11], $0x2800  }
0x24: {  	s19 =	simm.s32 $0x14;
	s18 =	simm.s32 $0xA;
	[sflag:s11] =	ssyncset.done $0x0  }
.LBB2_2:
0x25: {  	s20 =	sadd.s32 s18, s9  }
0x26: {  	[sflag:s11] =	ssyncadd.s32 $0xFFFFD800;
	s21 =	smov.u32 s19;
	s22 =	sadd.s32 $0xA, s19  }
0x27: {  	[tilespmem:s4], [sflag:$0x2] =	stream.linear.gather [hbm4b:s20+s4], $0x50, $0x38;
	[tilespmem:$0x16900] =	vst v63  }
0x28: {  	p0 =	sne.s32 s19, $0x4D8;
	_ =	swait.ge [sflag:s11], $0x50  }
0x29: {  	[sflag:s11] =	ssyncset.done $0x0  }
0x2a: {  	[sflag:s11] =	ssyncadd.s32 $0xFFFFFFB0  }
0x2b: {  	[tilespmem:s13], [sflag:$0x1] =	stream.indirect.gather [hbm4b:s0+s12], $0x80, s4, s12, $0xb8;
	[tilespmem:$0x16900] =	vst v63  }
0x2c: {  	_ =	swait.ge [sflag:s14], $0x2800  }
0x2d: {  	[sflag:s14] =	ssyncset.done $0x0  }
0x2e: {  	s19 =	sadd.s32 s18, s8;
	s18 =	smov.u32 s21;
	[sflag:s14] =	ssyncadd.s32 $0xFFFFD800  }
0x2f: {  	[tilespmem:s15], [sflag:$0x2] =	stream.linear.gather [hbm4b:s19+s4], $0x50, $0x38;
	[tilespmem:$0x16900] =	vst v63  }
0x30: {  	_ =	swait.ge [sflag:s11], $0x50  }
.Ltmp0:
0x31: {  	[sflag:s11] =	ssyncset.done $0x0;
	(pc) =	sbr.rel @p0 .LBB2_2-.Ltmp0, $4  }
0x32: {  	[sflag:s11] =	ssyncadd.s32 $0xFFFFFFB0  }
0x33: {  	[spmem:s3] =	stream.indirect.scatter.add.f32 [tilespmem:s13], [sflag:$0x2], $0x80, s15, s12, $0xb8;
	[tilespmem:$0x16900] =	vst v63  }
0x34: {  	_ =	swait.ge [sflag:s11], $0x2800  }
0x35: {  	s19 =	smov.u32 s22;
	[sflag:s11] =	ssyncset.done $0x0  }
0x36: {  	s19 =	sadd.s32 s18, s9;
	[sflag:s11] =	ssyncadd.s32 $0xFFFFD800  }
0x37: {  	[tilespmem:s4], [sflag:$0x2] =	stream.linear.gather [hbm4b:s19+s4], $0x50, $0x38;
	[tilespmem:$0x16900] =	vst v63  }
0x38: {  	_ =	swait.ge [sflag:s11], $0x50  }
0x39: {  	[sflag:s11] =	ssyncset.done $0x0  }
0x3a: {  	[sflag:s11] =	ssyncadd.s32 $0xFFFFFFB0  }
0x3b: {  	[tilespmem:s13], [sflag:$0x1] =	stream.indirect.gather [hbm4b:s0+s12], $0x80, s4, s12, $0xb8;
	[tilespmem:$0x16900] =	vst v63  }
0x3c: {  	_ =	swait.ge [sflag:s14], $0x2800  }
0x3d: {  	[sflag:s14] =	ssyncset.done $0x0  }
0x3e: {  	s31 =	sadd.s32 s18, s8;
	[sflag:s14] =	ssyncadd.s32 $0xFFFFD800  }
0x3f: {  	[tilespmem:s15], [sflag:$0x2] =	stream.linear.gather [hbm4b:s31+s4], $0x50, $0x38;
	[tilespmem:$0x16900] =	vst v63  }
0x40: {  	_ =	swait.ge [sflag:s11], $0x50  }
0x41: {  	[sflag:s11] =	ssyncset.done $0x0  }
0x42: {  	[sflag:s11] =	ssyncadd.s32 $0xFFFFFFB0  }
0x43: {  	[spmem:s3] =	stream.indirect.scatter.add.f32 [tilespmem:s13], [sflag:$0x2], $0x80, s15, s12, $0xb8;
	[tilespmem:$0x16900] =	vst v63  }
0x44: {  	_ =	swait.ge [sflag:s11], $0x2800  }
0x45: {  	s17 =	sadd.s32 $0x1, s17;
	[sflag:s11] =	ssyncset.done $0x0  }
0x46: {  	p0 =	sne.s32 s17, s7;
	[sflag:s11] =	ssyncadd.s32 $0xFFFFD800  }
.Ltmp1:
0x47: {  	[bflag:$0x0] =	sbarrier.arrive $0xFFFF;
	(pc) =	sbr.rel @p0 .LBB2_1-.Ltmp1, $4  }
0x48: {  	[hbm:s16], [sflag:s6] =	dma.local [spmem:s10], $0x2800  }
0x49: {  	_ =	swait.ge [sflag:s11], $0x2800  }
0x4a: {  	[sflag:s11] =	ssyncset.done $0x0  }
0x4b: {  	[sflag:s11] =	ssyncadd.s32 $0xFFFFD800  }
0x4c: {  	_ =	sfence.sel $0x180000  }
0x4d: {  	[bflag:$0x0] =	sbarrier.arrive $0xFFFF  }
0x4e: {  	p0 =	sne.s32 s1, $0x0;
	_ =	strace $0x90000047  }
0x4f: {  	s0 =	sadd.s32 @!p0 $0x100000, s2;
	[bflag:$0x2] =	sbarrier.arrive $0xFFFF  }
0x50: {  	[sflag:s0] =	ssyncadd.tile.s32 @!p0 $0x1;
	_ =	shalt  }
.Lfunc_end2:
_tile_overlayer_lowered:
.L_overlay_start_2:
0x51: {  	(tag) =	ssettag $0x2  }
0x52: {  	s0 =	rddreg [dreg:$0x0];
	s2 =	stileid.u32  }
0x53: {  	s1 =	rddreg [dreg:$0x1];
	p0 =	sne.s32 s2, $0x0  }
0x54: {  	s3 =	rddreg [dreg:$0x2];
	[bflag:$0x3] =	sbarrier.arrive $0xFFFF;
	s2 =	simm.s32 @!p0 $0x1C02  }
0x55: {  	[timem:s3], [sflag:s2] =	dma.local @!p0 [hbm:s0], s1  }
0x56: {  	s0 =	simm.s32 @!p0 $0x2  }
0x57: {  	_ =	swait.ge @!p0 [sflag:s0], s1  }
0x58: {  	s1 =	ssub.s32 @!p0 $0x0, s1;
	[sflag:s0] =	ssyncset.done @!p0 $0x0  }
0x59: {  	[sflag:s0] =	ssyncadd.s32 @!p0 s1  }
0x5a: {  	[bflag:$0x3] =	sbarrier.arrive $0xFFFF  }
0x5b: {  	_ =	shalt  }

</sc_bundles>
